<compile_context>
chip_gen: v7x
topology: tpu7x:2x2x1
jax: 0.10.2.dev20260603
libtpu: 0.0.44.dev20260713+nightly
codegen_flags: <defaults>
</compile_context>

<pallas_src>
import functools

import jax
import jax.numpy as jnp
from jax import lax
from jax.experimental import pallas as pl
from jax.experimental.pallas import tpu as pltpu
from jax.experimental.pallas import tpu_sc as plsc

B = 16
C = 3
IMG = 384
P = 16
G = IMG // P
N = G * G
E = 4
TOPK = 2
EXPERT_DIM = 1024
HIDDEN = 1024
PATCH_DIM = C * P * P


def _fuse_kernel(w1_ref, w2_ref, b1_ref, b2_ref, wc_ref, bc_ref):
    w2 = w2_ref[0]
    wc = jnp.dot(w1_ref[0], w2, preferred_element_type=jnp.float32)
    wc_ref[0] = wc.astype(jnp.bfloat16)
    bc_ref[0] = jnp.dot(b1_ref[0], w2, preferred_element_type=jnp.float32) + b2_ref[0]


def _routing_coeffs_sc(sel_t, rw_t):
    mesh = plsc.VectorSubcoreMesh(core_axis_name="c", subcore_axis_name="s")

    @functools.partial(
        pl.kernel,
        mesh=mesh,
        out_type=jax.ShapeDtypeStruct((E, B), jnp.float32),
        scratch_types=[
            pltpu.VMEM((TOPK, B), jnp.int32),
            pltpu.VMEM((TOPK, B), jnp.float32),
            pltpu.VMEM((E, B), jnp.float32),
        ],
    )
    def k(sel_hbm, rw_hbm, out_hbm, sel_v, rw_v, out_v):
        @pl.when((lax.axis_index("c") == 0) & (lax.axis_index("s") == 0))
        def _():
            pltpu.sync_copy(sel_hbm, sel_v)
            pltpu.sync_copy(rw_hbm, rw_v)
            s0 = sel_v[0]
            s1 = sel_v[1]
            w0 = rw_v[0]
            w1 = rw_v[1]
            zero = jnp.zeros((B,), jnp.float32)
            for e in range(E):
                out_v[e] = (jnp.where(s0 == e, w0, zero)
                            + jnp.where(s1 == e, w1, zero))
            pltpu.sync_copy(out_v, out_hbm)

    return k(sel_t, rw_t)


def _routed_matmul_kernel(wbe_ref, x_ref, wc_ref, bc_ref, out_ref):
    b = pl.program_id(0)
    cs = [wbe_ref[e, b] for e in range(E)]
    w_eff = cs[0].astype(jnp.bfloat16) * wc_ref[0]
    for e in range(1, E):
        w_eff = w_eff + cs[e].astype(jnp.bfloat16) * wc_ref[e]
    bias = cs[0] * bc_ref[0]
    for e in range(1, E):
        bias = bias + cs[e] * bc_ref[e]

    xb = x_ref[0].astype(jnp.bfloat16)
    patches = xb.reshape(C, G, P, G, P).transpose(1, 3, 0, 2, 4).reshape(
        N, PATCH_DIM)
    out_ref[0] = jnp.dot(patches, w_eff,
                         preferred_element_type=jnp.float32) + bias


def kernel(x, selected_experts, routing_weights, W_patch, b_patch, W_proj, b_proj):
    xb = x.shape[0]

    w_be = _routing_coeffs_sc(
        selected_experts.astype(jnp.int32).T, routing_weights.T)

    w_comb, b_comb = pl.pallas_call(
        _fuse_kernel,
        grid=(E,),
        in_specs=[
            pl.BlockSpec((1, PATCH_DIM, EXPERT_DIM), lambda e: (e, 0, 0)),
            pl.BlockSpec((1, EXPERT_DIM, HIDDEN), lambda e: (e, 0, 0)),
            pl.BlockSpec((1, 1, EXPERT_DIM), lambda e: (e, 0, 0)),
            pl.BlockSpec((1, 1, HIDDEN), lambda e: (e, 0, 0)),
        ],
        out_specs=[
            pl.BlockSpec((1, PATCH_DIM, HIDDEN), lambda e: (e, 0, 0)),
            pl.BlockSpec((1, 1, HIDDEN), lambda e: (e, 0, 0)),
        ],
        out_shape=[
            jax.ShapeDtypeStruct((E, PATCH_DIM, HIDDEN), jnp.bfloat16),
            jax.ShapeDtypeStruct((E, 1, HIDDEN), jnp.float32),
        ],
    )(W_patch, W_proj, b_patch.reshape(E, 1, EXPERT_DIM),
      b_proj.reshape(E, 1, HIDDEN))

    out = pl.pallas_call(
        _routed_matmul_kernel,
        grid_spec=pltpu.PrefetchScalarGridSpec(
            num_scalar_prefetch=1,
            grid=(xb,),
            in_specs=[
                pl.BlockSpec((1, C, IMG, IMG), lambda b, wbe: (b, 0, 0, 0)),
                pl.BlockSpec((E, PATCH_DIM, HIDDEN), lambda b, wbe: (0, 0, 0)),
                pl.BlockSpec((E, 1, HIDDEN), lambda b, wbe: (0, 0, 0)),
            ],
            out_specs=pl.BlockSpec((1, N, HIDDEN), lambda b, wbe: (b, 0, 0)),
        ),
        out_shape=jax.ShapeDtypeStruct((xb, N, HIDDEN), jnp.float32),
    )(w_be, x, w_comb, b_comb)
    return out

# --- scband reference (transcript-rebuilt; emitter-appended) ---
"""Pipeline reference for scband-vision-experts-68977174774108 (READ-ONLY COPY).

The authoritative reference and input builder live on the scoring server;
editing this copy changes nothing except your own understanding.
"""

import jax, jax.numpy as jnp
import numpy as np

B = 16
C = 3
IMG = 384
P = 16
G = IMG // P          # 24 grids
N = G * G             # 576 tokens
E = 4                 # number of vision experts
TOPK = 2
EXPERT_DIM = 1024     # hidden size of each expert tower (patch-embed stand-in)
HIDDEN = 1024         # mm_hidden_size
PATCH_DIM = C * P * P # 768

def setup_inputs(seed: int = 0) -> dict:
    key = jax.random.key(seed)
    ks = jax.random.split(key, 8)
    x = jax.random.normal(ks[0], (B, C, IMG, IMG), dtype=jnp.float32)
    selected_experts = jax.random.randint(ks[1], (B, TOPK), 0, E)
    routing_weights = jax.random.uniform(ks[2], (B, TOPK), dtype=jnp.float32)
    # per-expert vision tower (patch embedding) parameters
    W_patch = jax.random.normal(ks[3], (E, PATCH_DIM, EXPERT_DIM), dtype=jnp.float32) * 0.02
    b_patch = jnp.zeros((E, EXPERT_DIM), dtype=jnp.float32)
    # per-expert projector (nn.Linear(expert_hidden, mm_hidden_size))
    W_proj = jax.random.normal(ks[4], (E, EXPERT_DIM, HIDDEN), dtype=jnp.float32) * 0.02
    b_proj = jnp.zeros((E, HIDDEN), dtype=jnp.float32)
    return {"x": x, "selected_experts": selected_experts, "routing_weights": routing_weights,
            "W_patch": W_patch, "b_patch": b_patch, "W_proj": W_proj, "b_proj": b_proj}

def reference(x, selected_experts, routing_weights, W_patch, b_patch, W_proj, b_proj):
    xb = x.shape[0]
    # patchify: [B, 3, H, W] -> [B, N, 3*P*P]
    patches = x.reshape(xb, C, G, P, G, P).transpose(0, 2, 4, 1, 3, 5).reshape(xb, N, PATCH_DIM)
    experts_feature = jnp.zeros((xb, N * HIDDEN), dtype=routing_weights.dtype)
    for i in range(E):
        # per-sample routing weight for expert i (0 if not selected) -- equivalent to
        # torch.where(selected_experts == i) gather + scatter-add in the original
        mask = (selected_experts == i).astype(routing_weights.dtype)
        w = jnp.sum(routing_weights * mask, axis=1)  # [B]
        # vision expert i forward (patch embed): [B, N, expert_dim]
        feat = jnp.einsum('bnd,dh->bnh', patches, W_patch[i]) + b_patch[i]
        # expert projector i: [B, N, hidden]
        proj = jnp.einsum('bnh,ho->bno', feat, W_proj[i]) + b_proj[i]
        experts_feature = experts_feature + w[:, None] * proj.reshape(xb, -1)
    return experts_feature.reshape(xb, N, HIDDEN)

if __name__ == "__main__":
    import jax
    _d = setup_inputs()
    print(jax.jit(kernel)(*tuple(_d.values())))

</pallas_src>

<mosaic_0001>
#map = affine_map<(d0, d1) -> (0, 0)>
module attributes {stable_mosaic.version = 14 : i64} {
  func.func @k(%arg0: i32, %arg1: i32, %arg2: memref<2x16xi32, #tpu.memory_space<hbm>>, %arg3: memref<2x16xf32, #tpu.memory_space<hbm>>, %arg4: memref<4x16xf32, #tpu.memory_space<hbm>>, %arg5: memref<2x16xi32, #tpu.memory_space<vmem>>, %arg6: memref<2x16xf32, #tpu.memory_space<vmem>>, %arg7: memref<4x16xf32, #tpu.memory_space<vmem>>) attributes {dimension_semantics = [#tpu.dimension_semantics<core_parallel>, #tpu.dimension_semantics<subcore_parallel>], iteration_bounds = array<i64: 2, 16>, scalar_prefetch = 0 : i64, scratch_operands = 3 : i64, tpu.core_type = #tpu.core_type<sc_vector_subcore>, window_params = [{transform_indices = #map}, {transform_indices = #map}, {transform_indices = #map}]} {
    %eq3A = arith.constant 0 : i32
    %eq3A_0 = arith.cmpi eq, %arg0, %eq3A : i32
    %eq3A_1 = arith.constant 0 : i32
    %eq3A_2 = arith.cmpi eq, %arg1, %eq3A_1 : i32
    %and3A = arith.andi %eq3A_0, %eq3A_2 : i1
    %convert_element_type3A = arith.extui %and3A : i1 to i32
    %cond3A = arith.constant 0 : i32
    %cond3A_3 = arith.cmpi ne, %convert_element_type3A, %cond3A : i32
    scf.if %cond3A_3 {
      "tpu.region"() ({
        %run_scoped3A = tpu.sem_alloc : memref<!tpu.dma_semaphore, #tpu.memory_space<semaphore_mem>>
        tpu.enqueue_dma source(%arg2 : memref<2x16xi32, #tpu.memory_space<hbm>>) target(%arg5 : memref<2x16xi32, #tpu.memory_space<vmem>>) target_semaphore(%run_scoped3A : memref<!tpu.dma_semaphore, #tpu.memory_space<semaphore_mem>>)
        tpu.wait_dma2 semaphore(%run_scoped3A : memref<!tpu.dma_semaphore, #tpu.memory_space<semaphore_mem>>) src(%arg2 : memref<2x16xi32, #tpu.memory_space<hbm>>) dst(%arg5 : memref<2x16xi32, #tpu.memory_space<vmem>>)
        tpu.yield
      }) : () -> ()
      "tpu.region"() ({
        %run_scoped3A = tpu.sem_alloc : memref<!tpu.dma_semaphore, #tpu.memory_space<semaphore_mem>>
        tpu.enqueue_dma source(%arg3 : memref<2x16xf32, #tpu.memory_space<hbm>>) target(%arg6 : memref<2x16xf32, #tpu.memory_space<vmem>>) target_semaphore(%run_scoped3A : memref<!tpu.dma_semaphore, #tpu.memory_space<semaphore_mem>>)
        tpu.wait_dma2 semaphore(%run_scoped3A : memref<!tpu.dma_semaphore, #tpu.memory_space<semaphore_mem>>) src(%arg3 : memref<2x16xf32, #tpu.memory_space<hbm>>) dst(%arg6 : memref<2x16xf32, #tpu.memory_space<vmem>>)
        tpu.yield
      }) : () -> ()
      %get3A = arith.constant 0 : i32
      %get3A_4 = arith.index_cast %get3A : i32 to index
      %get3A_5 = arith.constant 0 : index
      %get3A_6 = tpu.vector_load %arg5[%get3A_4, %get3A_5] {strides = array<i32>} : memref<2x16xi32, #tpu.memory_space<vmem>>, vector<1x16xi32>,
      %get3A_7 = vector.shape_cast %get3A_6 : vector<1x16xi32> to vector<16xi32>
      %get3A_8 = arith.constant 1 : i32
      %get3A_9 = arith.index_cast %get3A_8 : i32 to index
      %get3A_10 = arith.constant 0 : index
      %get3A_11 = tpu.vector_load %arg5[%get3A_9, %get3A_10] {strides = array<i32>} : memref<2x16xi32, #tpu.memory_space<vmem>>, vector<1x16xi32>,
      %get3A_12 = vector.shape_cast %get3A_11 : vector<1x16xi32> to vector<16xi32>
      %get3A_13 = arith.constant 0 : i32
      %get3A_14 = arith.index_cast %get3A_13 : i32 to index
      %get3A_15 = arith.constant 0 : index
      %get3A_16 = tpu.vector_load %arg6[%get3A_14, %get3A_15] {strides = array<i32>} : memref<2x16xf32, #tpu.memory_space<vmem>>, vector<1x16xf32>,
      %get3A_17 = vector.shape_cast %get3A_16 : vector<1x16xf32> to vector<16xf32>
      %get3A_18 = arith.constant 1 : i32
      %get3A_19 = arith.index_cast %get3A_18 : i32 to index
      %get3A_20 = arith.constant 0 : index
      %get3A_21 = tpu.vector_load %arg6[%get3A_19, %get3A_20] {strides = array<i32>} : memref<2x16xf32, #tpu.memory_space<vmem>>, vector<1x16xf32>,
      %get3A_22 = vector.shape_cast %get3A_21 : vector<1x16xf32> to vector<16xf32>
      %broadcast_in_dim3A = arith.constant 0.000000e+00 : f32
      %broadcast_in_dim3A_23 = vector.broadcast %broadcast_in_dim3A : f32 to vector<16xf32>
      %eq3A_24 = arith.constant 0 : i32
      %eq3A_25 = vector.broadcast %eq3A_24 : i32 to vector<16xi32>
      %eq3A_26 = arith.cmpi eq, %get3A_7, %eq3A_25 : vector<16xi32>
      %select_n3A = arith.select %eq3A_26, %get3A_17, %broadcast_in_dim3A_23 : vector<16xi1>, vector<16xf32>
      %eq3A_27 = arith.constant 0 : i32
      %eq3A_28 = vector.broadcast %eq3A_27 : i32 to vector<16xi32>
      %eq3A_29 = arith.cmpi eq, %get3A_12, %eq3A_28 : vector<16xi32>
      %select_n3A_30 = arith.select %eq3A_29, %get3A_22, %broadcast_in_dim3A_23 : vector<16xi1>, vector<16xf32>
      %add3A = arith.addf %select_n3A, %select_n3A_30 : vector<16xf32>
      %swap3A = arith.constant 0 : i32
      %swap3A_31 = arith.index_cast %swap3A : i32 to index
      %swap3A_32 = arith.constant 0 : index
      %swap3A_33 = tpu.vector_load %arg7[%swap3A_31, %swap3A_32] {strides = array<i32>} : memref<4x16xf32, #tpu.memory_space<vmem>>, vector<1x16xf32>,
      %swap3A_34 = vector.shape_cast %swap3A_33 : vector<1x16xf32> to vector<16xf32>
      %swap3A_35 = vector.shape_cast %add3A : vector<16xf32> to vector<1x16xf32>
      tpu.vector_store %arg7[%swap3A_31, %swap3A_32], %swap3A_35 {strides = array<i32>} : memref<4x16xf32, #tpu.memory_space<vmem>>, vector<1x16xf32>,
      %eq3A_36 = arith.constant 1 : i32
      %eq3A_37 = vector.broadcast %eq3A_36 : i32 to vector<16xi32>
      %eq3A_38 = arith.cmpi eq, %get3A_7, %eq3A_37 : vector<16xi32>
      %select_n3A_39 = arith.select %eq3A_38, %get3A_17, %broadcast_in_dim3A_23 : vector<16xi1>, vector<16xf32>
      %eq3A_40 = arith.constant 1 : i32
      %eq3A_41 = vector.broadcast %eq3A_40 : i32 to vector<16xi32>
      %eq3A_42 = arith.cmpi eq, %get3A_12, %eq3A_41 : vector<16xi32>
      %select_n3A_43 = arith.select %eq3A_42, %get3A_22, %broadcast_in_dim3A_23 : vector<16xi1>, vector<16xf32>
      %add3A_44 = arith.addf %select_n3A_39, %select_n3A_43 : vector<16xf32>
      %swap3A_45 = arith.constant 1 : i32
      %swap3A_46 = arith.index_cast %swap3A_45 : i32 to index
      %swap3A_47 = arith.constant 0 : index
      %swap3A_48 = tpu.vector_load %arg7[%swap3A_46, %swap3A_47] {strides = array<i32>} : memref<4x16xf32, #tpu.memory_space<vmem>>, vector<1x16xf32>,
      %swap3A_49 = vector.shape_cast %swap3A_48 : vector<1x16xf32> to vector<16xf32>
      %swap3A_50 = vector.shape_cast %add3A_44 : vector<16xf32> to vector<1x16xf32>
      tpu.vector_store %arg7[%swap3A_46, %swap3A_47], %swap3A_50 {strides = array<i32>} : memref<4x16xf32, #tpu.memory_space<vmem>>, vector<1x16xf32>,
      %eq3A_51 = arith.constant 2 : i32
      %eq3A_52 = vector.broadcast %eq3A_51 : i32 to vector<16xi32>
      %eq3A_53 = arith.cmpi eq, %get3A_7, %eq3A_52 : vector<16xi32>
      %select_n3A_54 = arith.select %eq3A_53, %get3A_17, %broadcast_in_dim3A_23 : vector<16xi1>, vector<16xf32>
      %eq3A_55 = arith.constant 2 : i32
      %eq3A_56 = vector.broadcast %eq3A_55 : i32 to vector<16xi32>
      %eq3A_57 = arith.cmpi eq, %get3A_12, %eq3A_56 : vector<16xi32>
      %select_n3A_58 = arith.select %eq3A_57, %get3A_22, %broadcast_in_dim3A_23 : vector<16xi1>, vector<16xf32>
      %add3A_59 = arith.addf %select_n3A_54, %select_n3A_58 : vector<16xf32>
      %swap3A_60 = arith.constant 2 : i32
      %swap3A_61 = arith.index_cast %swap3A_60 : i32 to index
      %swap3A_62 = arith.constant 0 : index
      %swap3A_63 = tpu.vector_load %arg7[%swap3A_61, %swap3A_62] {strides = array<i32>} : memref<4x16xf32, #tpu.memory_space<vmem>>, vector<1x16xf32>,
      %swap3A_64 = vector.shape_cast %swap3A_63 : vector<1x16xf32> to vector<16xf32>
      %swap3A_65 = vector.shape_cast %add3A_59 : vector<16xf32> to vector<1x16xf32>
      tpu.vector_store %arg7[%swap3A_61, %swap3A_62], %swap3A_65 {strides = array<i32>} : memref<4x16xf32, #tpu.memory_space<vmem>>, vector<1x16xf32>,
      %eq3A_66 = arith.constant 3 : i32
      %eq3A_67 = vector.broadcast %eq3A_66 : i32 to vector<16xi32>
      %eq3A_68 = arith.cmpi eq, %get3A_7, %eq3A_67 : vector<16xi32>
      %select_n3A_69 = arith.select %eq3A_68, %get3A_17, %broadcast_in_dim3A_23 : vector<16xi1>, vector<16xf32>
      %eq3A_70 = arith.constant 3 : i32
      %eq3A_71 = vector.broadcast %eq3A_70 : i32 to vector<16xi32>
      %eq3A_72 = arith.cmpi eq, %get3A_12, %eq3A_71 : vector<16xi32>
      %select_n3A_73 = arith.select %eq3A_72, %get3A_22, %broadcast_in_dim3A_23 : vector<16xi1>, vector<16xf32>
      %add3A_74 = arith.addf %select_n3A_69, %select_n3A_73 : vector<16xf32>
      %swap3A_75 = arith.constant 3 : i32
      %swap3A_76 = arith.index_cast %swap3A_75 : i32 to index
      %swap3A_77 = arith.constant 0 : index
      %swap3A_78 = tpu.vector_load %arg7[%swap3A_76, %swap3A_77] {strides = array<i32>} : memref<4x16xf32, #tpu.memory_space<vmem>>, vector<1x16xf32>,
      %swap3A_79 = vector.shape_cast %swap3A_78 : vector<1x16xf32> to vector<16xf32>
      %swap3A_80 = vector.shape_cast %add3A_74 : vector<16xf32> to vector<1x16xf32>
      tpu.vector_store %arg7[%swap3A_76, %swap3A_77], %swap3A_80 {strides = array<i32>} : memref<4x16xf32, #tpu.memory_space<vmem>>, vector<1x16xf32>,
      "tpu.region"() ({
        %run_scoped3A = tpu.sem_alloc : memref<!tpu.dma_semaphore, #tpu.memory_space<semaphore_mem>>
        tpu.enqueue_dma source(%arg7 : memref<4x16xf32, #tpu.memory_space<vmem>>) target(%arg4 : memref<4x16xf32, #tpu.memory_space<hbm>>) target_semaphore(%run_scoped3A : memref<!tpu.dma_semaphore, #tpu.memory_space<semaphore_mem>>)
        tpu.wait_dma2 semaphore(%run_scoped3A : memref<!tpu.dma_semaphore, #tpu.memory_space<semaphore_mem>>) src(%arg7 : memref<4x16xf32, #tpu.memory_space<vmem>>) dst(%arg4 : memref<4x16xf32, #tpu.memory_space<hbm>>)
        tpu.yield
      }) : () -> ()
    } else {
    }
    return
  }
}

module attributes {stable_mosaic.version = 14 : i64} {
  func.func @_routed_matmul_kernel(%arg0: i32, %arg1: memref<4x16xf32, #tpu.memory_space<smem>>, %arg2: memref<1x3x384x384xf32, #tpu.memory_space<vmem>>, %arg3: memref<4x768x1024xbf16, #tpu.memory_space<vmem>>, %arg4: memref<4x1x1024xf32, #tpu.memory_space<vmem>>, %arg5: memref<1x576x1024xf32, #tpu.memory_space<vmem>>) attributes {dimension_semantics = [#tpu.dimension_semantics<arbitrary>], iteration_bounds = array<i64: 16>, scalar_prefetch = 1 : i64, scratch_operands = 0 : i64, tpu.core_type = #tpu.core_type<tc>, window_params = [{transform_indices = @transform_0, window_bounds = array<i64: 1, 3, 384, 384>}, {pipeline_mode = #tpu.pipeline_mode<synchronous>, transform_indices = @transform_1, window_bounds = array<i64: 4, 768, 1024>}, {pipeline_mode = #tpu.pipeline_mode<synchronous>, transform_indices = @transform_2, window_bounds = array<i64: 4, 1, 1024>}, {transform_indices = @transform_3, window_bounds = array<i64: 1, 576, 1024>}]} {
    %get3A = arith.constant 0 : index
    %get3A_0 = arith.index_cast %arg0 : i32 to index
    %get3A_1 = memref.load %arg1[%get3A, %get3A_0] : memref<4x16xf32, #tpu.memory_space<smem>>
    %get3A_2 = arith.constant 1 : index
    %get3A_3 = arith.index_cast %arg0 : i32 to index
    %get3A_4 = memref.load %arg1[%get3A_2, %get3A_3] : memref<4x16xf32, #tpu.memory_space<smem>>
    %get3A_5 = arith.constant 2 : index
    %get3A_6 = arith.index_cast %arg0 : i32 to index
    %get3A_7 = memref.load %arg1[%get3A_5, %get3A_6] : memref<4x16xf32, #tpu.memory_space<smem>>
    %get3A_8 = arith.constant 3 : index
    %get3A_9 = arith.index_cast %arg0 : i32 to index
    %get3A_10 = memref.load %arg1[%get3A_8, %get3A_9] : memref<4x16xf32, #tpu.memory_space<smem>>
    %convert_element_type3A = arith.truncf %get3A_1 : f32 to bf16
    %get3A_11 = arith.constant 0 : index
    %get3A_12 = arith.constant 0 : index
    %get3A_13 = arith.constant 0 : index
    %get3A_14 = vector.load %arg3[%get3A_11, %get3A_12, %get3A_13] : memref<4x768x1024xbf16, #tpu.memory_space<vmem>>, vector<1x768x1024xbf16>
    %get3A_15 = vector.shape_cast %get3A_14 : vector<1x768x1024xbf16> to vector<768x1024xbf16>
    %mul3A = vector.broadcast %convert_element_type3A : bf16 to vector<768x1024xbf16>
    %mul3A_16 = arith.mulf %mul3A, %get3A_15 : vector<768x1024xbf16>
    %convert_element_type3A_17 = arith.truncf %get3A_4 : f32 to bf16
    %get3A_18 = arith.constant 1 : index
    %get3A_19 = arith.constant 0 : index
    %get3A_20 = arith.constant 0 : index
    %get3A_21 = vector.load %arg3[%get3A_18, %get3A_19, %get3A_20] : memref<4x768x1024xbf16, #tpu.memory_space<vmem>>, vector<1x768x1024xbf16>
    %get3A_22 = vector.shape_cast %get3A_21 : vector<1x768x1024xbf16> to vector<768x1024xbf16>
    %mul3A_23 = vector.broadcast %convert_element_type3A_17 : bf16 to vector<768x1024xbf16>
    %mul3A_24 = arith.mulf %mul3A_23, %get3A_22 : vector<768x1024xbf16>
    %add3A = arith.addf %mul3A_16, %mul3A_24 : vector<768x1024xbf16>
    %convert_element_type3A_25 = arith.truncf %get3A_7 : f32 to bf16
    %get3A_26 = arith.constant 2 : index
    %get3A_27 = arith.constant 0 : index
    %get3A_28 = arith.constant 0 : index
    %get3A_29 = vector.load %arg3[%get3A_26, %get3A_27, %get3A_28] : memref<4x768x1024xbf16, #tpu.memory_space<vmem>>, vector<1x768x1024xbf16>
    %get3A_30 = vector.shape_cast %get3A_29 : vector<1x768x1024xbf16> to vector<768x1024xbf16>
    %mul3A_31 = vector.broadcast %convert_element_type3A_25 : bf16 to vector<768x1024xbf16>
    %mul3A_32 = arith.mulf %mul3A_31, %get3A_30 : vector<768x1024xbf16>
    %add3A_33 = arith.addf %add3A, %mul3A_32 : vector<768x1024xbf16>
    %convert_element_type3A_34 = arith.truncf %get3A_10 : f32 to bf16
    %get3A_35 = arith.constant 3 : index
    %get3A_36 = arith.constant 0 : index
    %get3A_37 = arith.constant 0 : index
    %get3A_38 = vector.load %arg3[%get3A_35, %get3A_36, %get3A_37] : memref<4x768x1024xbf16, #tpu.memory_space<vmem>>, vector<1x768x1024xbf16>
    %get3A_39 = vector.shape_cast %get3A_38 : vector<1x768x1024xbf16> to vector<768x1024xbf16>
    %mul3A_40 = vector.broadcast %convert_element_type3A_34 : bf16 to vector<768x1024xbf16>
    %mul3A_41 = arith.mulf %mul3A_40, %get3A_39 : vector<768x1024xbf16>
    %add3A_42 = arith.addf %add3A_33, %mul3A_41 : vector<768x1024xbf16>
    %get3A_43 = arith.constant 0 : index
    %get3A_44 = arith.constant 0 : index
    %get3A_45 = arith.constant 0 : index
    %get3A_46 = vector.load %arg4[%get3A_43, %get3A_44, %get3A_45] : memref<4x1x1024xf32, #tpu.memory_space<vmem>>, vector<1x1x1024xf32>
    %get3A_47 = vector.shape_cast %get3A_46 : vector<1x1x1024xf32> to vector<1x1024xf32>
    %mul3A_48 = vector.broadcast %get3A_1 : f32 to vector<1x1024xf32>
    %mul3A_49 = arith.mulf %mul3A_48, %get3A_47 : vector<1x1024xf32>
    %get3A_50 = arith.constant 1 : index
    %get3A_51 = arith.constant 0 : index
    %get3A_52 = arith.constant 0 : index
    %get3A_53 = vector.load %arg4[%get3A_50, %get3A_51, %get3A_52] : memref<4x1x1024xf32, #tpu.memory_space<vmem>>, vector<1x1x1024xf32>
    %get3A_54 = vector.shape_cast %get3A_53 : vector<1x1x1024xf32> to vector<1x1024xf32>
    %mul3A_55 = vector.broadcast %get3A_4 : f32 to vector<1x1024xf32>
    %mul3A_56 = arith.mulf %mul3A_55, %get3A_54 : vector<1x1024xf32>
    %add3A_57 = arith.addf %mul3A_49, %mul3A_56 : vector<1x1024xf32>
    %get3A_58 = arith.constant 2 : index
    %get3A_59 = arith.constant 0 : index
    %get3A_60 = arith.constant 0 : index
    %get3A_61 = vector.load %arg4[%get3A_58, %get3A_59, %get3A_60] : memref<4x1x1024xf32, #tpu.memory_space<vmem>>, vector<1x1x1024xf32>
    %get3A_62 = vector.shape_cast %get3A_61 : vector<1x1x1024xf32> to vector<1x1024xf32>
    %mul3A_63 = vector.broadcast %get3A_7 : f32 to vector<1x1024xf32>
    %mul3A_64 = arith.mulf %mul3A_63, %get3A_62 : vector<1x1024xf32>
    %add3A_65 = arith.addf %add3A_57, %mul3A_64 : vector<1x1024xf32>
    %get3A_66 = arith.constant 3 : index
    %get3A_67 = arith.constant 0 : index
    %get3A_68 = arith.constant 0 : index
    %get3A_69 = vector.load %arg4[%get3A_66, %get3A_67, %get3A_68] : memref<4x1x1024xf32, #tpu.memory_space<vmem>>, vector<1x1x1024xf32>
    %get3A_70 = vector.shape_cast %get3A_69 : vector<1x1x1024xf32> to vector<1x1024xf32>
    %mul3A_71 = vector.broadcast %get3A_10 : f32 to vector<1x1024xf32>
    %mul3A_72 = arith.mulf %mul3A_71, %get3A_70 : vector<1x1024xf32>
    %add3A_73 = arith.addf %add3A_65, %mul3A_72 : vector<1x1024xf32>
    %get3A_74 = arith.constant 0 : index
    %get3A_75 = arith.constant 0 : index
    %get3A_76 = arith.constant 0 : index
    %get3A_77 = arith.constant 0 : index
    %get3A_78 = vector.load %arg2[%get3A_74, %get3A_75, %get3A_76, %get3A_77] : memref<1x3x384x384xf32, #tpu.memory_space<vmem>>, vector<1x3x384x384xf32>
    %get3A_79 = vector.shape_cast %get3A_78 : vector<1x3x384x384xf32> to vector<3x384x384xf32>
    %convert_element_type3A_80 = arith.truncf %get3A_79 : vector<3x384x384xf32> to vector<3x384x384xbf16>
    %reshape3A = vector.shape_cast %convert_element_type3A_80 : vector<3x384x384xbf16> to vector<3x24x16x24x16xbf16>
    %transpose3A = tpu.transpose %reshape3A, [1, 3, 0, 2, 4] : vector<3x24x16x24x16xbf16> -> vector<24x24x3x16x16xbf16>
    %reshape3A_81 = vector.shape_cast %transpose3A : vector<24x24x3x16x16xbf16> to vector<576x768xbf16>
    %dot_general3A = arith.constant dense<0.000000e+00> : vector<576x1024xf32>
    %dot_general3A_82 = tpu.matmul %reshape3A_81, %add3A_42, %dot_general3A {dimension_numbers = #tpu.dot_dimension_numbers<[1], [0], [0], [1], [0, 0, 1, 1], [], []>, transpose_lhs_hint = false} : vector<576x768xbf16>, vector<768x1024xbf16>, vector<576x1024xf32> -> vector<576x1024xf32>
    %add3A_83 = vector.broadcast %add3A_73 : vector<1x1024xf32> to vector<576x1024xf32>
    %add3A_84 = arith.addf %dot_general3A_82, %add3A_83 : vector<576x1024xf32>
    %swap3A = arith.constant 0 : index
    %swap3A_85 = arith.constant 0 : index
    %swap3A_86 = arith.constant 0 : index
    %swap3A_87 = vector.load %arg5[%swap3A, %swap3A_85, %swap3A_86] : memref<1x576x1024xf32, #tpu.memory_space<vmem>>, vector<1x576x1024xf32>
    %swap3A_88 = vector.shape_cast %swap3A_87 : vector<1x576x1024xf32> to vector<576x1024xf32>
    %swap3A_89 = vector.shape_cast %add3A_84 : vector<576x1024xf32> to vector<1x576x1024xf32>
    tpu.vector_store %arg5[%swap3A, %swap3A_85, %swap3A_86], %swap3A_89 {strides = array<i32>} : memref<1x576x1024xf32, #tpu.memory_space<vmem>>, vector<1x576x1024xf32>,
    return
  }
  func.func @transform_0(%arg0: i32, %arg1: memref<4x16xf32, #tpu.memory_space<smem>>) -> (i32, i32, i32, i32) {
    %c0_i32 = arith.constant 0 : i32
    %c0_i32_0 = arith.constant 0 : i32
    %c0_i32_1 = arith.constant 0 : i32
    %c0_i32_2 = arith.constant 0 : i32
    return %arg0, %c0_i32, %c0_i32_0, %c0_i32_1 : i32, i32, i32, i32
  }
  func.func @transform_1(%arg0: i32, %arg1: memref<4x16xf32, #tpu.memory_space<smem>>) -> (i32, i32, i32) {
    %c0_i32 = arith.constant 0 : i32
    %c0_i32_0 = arith.constant 0 : i32
    %c0_i32_1 = arith.constant 0 : i32
    %c0_i32_2 = arith.constant 0 : i32
    return %c0_i32, %c0_i32_0, %c0_i32_1 : i32, i32, i32
  }
  func.func @transform_2(%arg0: i32, %arg1: memref<4x16xf32, #tpu.memory_space<smem>>) -> (i32, i32, i32) {
    %c0_i32 = arith.constant 0 : i32
    %c0_i32_0 = arith.constant 0 : i32
    %c0_i32_1 = arith.constant 0 : i32
    %c0_i32_2 = arith.constant 0 : i32
    return %c0_i32, %c0_i32_0, %c0_i32_1 : i32, i32, i32
  }
  func.func @transform_3(%arg0: i32, %arg1: memref<4x16xf32, #tpu.memory_space<smem>>) -> (i32, i32, i32) {
    %c0_i32 = arith.constant 0 : i32
    %c0_i32_0 = arith.constant 0 : i32
    %c0_i32_1 = arith.constant 0 : i32
    return %arg0, %c0_i32, %c0_i32_0 : i32, i32, i32
  }
}

module attributes {stable_mosaic.version = 14 : i64} {
  func.func @_fuse_kernel(%arg0: i32, %arg1: memref<1x768x1024xf32, #tpu.memory_space<vmem>>, %arg2: memref<1x1024x1024xf32, #tpu.memory_space<vmem>>, %arg3: memref<1x1x1024xf32, #tpu.memory_space<vmem>>, %arg4: memref<1x1x1024xf32, #tpu.memory_space<vmem>>, %arg5: memref<1x768x1024xbf16, #tpu.memory_space<vmem>>, %arg6: memref<1x1x1024xf32, #tpu.memory_space<vmem>>) attributes {dimension_semantics = [#tpu.dimension_semantics<arbitrary>], iteration_bounds = array<i64: 4>, scalar_prefetch = 0 : i64, scratch_operands = 0 : i64, tpu.core_type = #tpu.core_type<tc>, window_params = [{transform_indices = @transform_0, window_bounds = array<i64: 1, 768, 1024>}, {transform_indices = @transform_1, window_bounds = array<i64: 1, 1024, 1024>}, {transform_indices = @transform_2, window_bounds = array<i64: 1, 1, 1024>}, {transform_indices = @transform_3, window_bounds = array<i64: 1, 1, 1024>}, {transform_indices = @transform_4, window_bounds = array<i64: 1, 768, 1024>}, {transform_indices = @transform_5, window_bounds = array<i64: 1, 1, 1024>}]} {
    %get3A = arith.constant 0 : index
    %get3A_0 = arith.constant 0 : index
    %get3A_1 = arith.constant 0 : index
    %get3A_2 = vector.load %arg2[%get3A, %get3A_0, %get3A_1] : memref<1x1024x1024xf32, #tpu.memory_space<vmem>>, vector<1x1024x1024xf32>
    %get3A_3 = vector.shape_cast %get3A_2 : vector<1x1024x1024xf32> to vector<1024x1024xf32>
    %get3A_4 = arith.constant 0 : index
    %get3A_5 = arith.constant 0 : index
    %get3A_6 = arith.constant 0 : index
    %get3A_7 = vector.load %arg1[%get3A_4, %get3A_5, %get3A_6] : memref<1x768x1024xf32, #tpu.memory_space<vmem>>, vector<1x768x1024xf32>
    %get3A_8 = vector.shape_cast %get3A_7 : vector<1x768x1024xf32> to vector<768x1024xf32>
    %dot_general3A = arith.constant dense<0.000000e+00> : vector<768x1024xf32>
    %dot_general3A_9 = tpu.matmul %get3A_8, %get3A_3, %dot_general3A {dimension_numbers = #tpu.dot_dimension_numbers<[1], [0], [0], [1], [0, 0, 1, 1], [], []>, transpose_lhs_hint = false} : vector<768x1024xf32>, vector<1024x1024xf32>, vector<768x1024xf32> -> vector<768x1024xf32>
    %convert_element_type3A = arith.truncf %dot_general3A_9 : vector<768x1024xf32> to vector<768x1024xbf16>
    %swap3A = arith.constant 0 : index
    %swap3A_10 = arith.constant 0 : index
    %swap3A_11 = arith.constant 0 : index
    %swap3A_12 = vector.load %arg5[%swap3A, %swap3A_10, %swap3A_11] : memref<1x768x1024xbf16, #tpu.memory_space<vmem>>, vector<1x768x1024xbf16>
    %swap3A_13 = vector.shape_cast %swap3A_12 : vector<1x768x1024xbf16> to vector<768x1024xbf16>
    %swap3A_14 = vector.shape_cast %convert_element_type3A : vector<768x1024xbf16> to vector<1x768x1024xbf16>
    tpu.vector_store %arg5[%swap3A, %swap3A_10, %swap3A_11], %swap3A_14 {strides = array<i32>} : memref<1x768x1024xbf16, #tpu.memory_space<vmem>>, vector<1x768x1024xbf16>,
    %get3A_15 = arith.constant 0 : index
    %get3A_16 = arith.constant 0 : index
    %get3A_17 = arith.constant 0 : index
    %get3A_18 = vector.load %arg3[%get3A_15, %get3A_16, %get3A_17] : memref<1x1x1024xf32, #tpu.memory_space<vmem>>, vector<1x1x1024xf32>
    %get3A_19 = vector.shape_cast %get3A_18 : vector<1x1x1024xf32> to vector<1x1024xf32>
    %dot_general3A_20 = arith.constant dense<0.000000e+00> : vector<1x1024xf32>
    %dot_general3A_21 = tpu.matmul %get3A_19, %get3A_3, %dot_general3A_20 {dimension_numbers = #tpu.dot_dimension_numbers<[1], [0], [0], [1], [0, 0, 1, 1], [], []>, transpose_lhs_hint = false} : vector<1x1024xf32>, vector<1024x1024xf32>, vector<1x1024xf32> -> vector<1x1024xf32>
    %get3A_22 = arith.constant 0 : index
    %get3A_23 = arith.constant 0 : index
    %get3A_24 = arith.constant 0 : index
    %get3A_25 = vector.load %arg4[%get3A_22, %get3A_23, %get3A_24] : memref<1x1x1024xf32, #tpu.memory_space<vmem>>, vector<1x1x1024xf32>
    %get3A_26 = vector.shape_cast %get3A_25 : vector<1x1x1024xf32> to vector<1x1024xf32>
    %add3A = arith.addf %dot_general3A_21, %get3A_26 : vector<1x1024xf32>
    %swap3A_27 = arith.constant 0 : index
    %swap3A_28 = arith.constant 0 : index
    %swap3A_29 = arith.constant 0 : index
    %swap3A_30 = vector.load %arg6[%swap3A_27, %swap3A_28, %swap3A_29] : memref<1x1x1024xf32, #tpu.memory_space<vmem>>, vector<1x1x1024xf32>
    %swap3A_31 = vector.shape_cast %swap3A_30 : vector<1x1x1024xf32> to vector<1x1024xf32>
    %swap3A_32 = vector.shape_cast %add3A : vector<1x1024xf32> to vector<1x1x1024xf32>
    tpu.vector_store %arg6[%swap3A_27, %swap3A_28, %swap3A_29], %swap3A_32 {strides = array<i32>} : memref<1x1x1024xf32, #tpu.memory_space<vmem>>, vector<1x1x1024xf32>,
    return
  }
  func.func @transform_0(%arg0: i32) -> (i32, i32, i32) {
    %c0_i32 = arith.constant 0 : i32
    %c0_i32_0 = arith.constant 0 : i32
    %c0_i32_1 = arith.constant 0 : i32
    return %arg0, %c0_i32, %c0_i32_0 : i32, i32, i32
  }
  func.func @transform_1(%arg0: i32) -> (i32, i32, i32) {
    %c0_i32 = arith.constant 0 : i32
    %c0_i32_0 = arith.constant 0 : i32
    %c0_i32_1 = arith.constant 0 : i32
    return %arg0, %c0_i32, %c0_i32_0 : i32, i32, i32
  }
  func.func @transform_2(%arg0: i32) -> (i32, i32, i32) {
    %c0_i32 = arith.constant 0 : i32
    %c0_i32_0 = arith.constant 0 : i32
    %c0_i32_1 = arith.constant 0 : i32
    return %arg0, %c0_i32, %c0_i32_0 : i32, i32, i32
  }
  func.func @transform_3(%arg0: i32) -> (i32, i32, i32) {
    %c0_i32 = arith.constant 0 : i32
    %c0_i32_0 = arith.constant 0 : i32
    %c0_i32_1 = arith.constant 0 : i32
    return %arg0, %c0_i32, %c0_i32_0 : i32, i32, i32
  }
  func.func @transform_4(%arg0: i32) -> (i32, i32, i32) {
    %c0_i32 = arith.constant 0 : i32
    %c0_i32_0 = arith.constant 0 : i32
    %c0_i32_1 = arith.constant 0 : i32
    return %arg0, %c0_i32, %c0_i32_0 : i32, i32, i32
  }
  func.func @transform_5(%arg0: i32) -> (i32, i32, i32) {
    %c0_i32 = arith.constant 0 : i32
    %c0_i32_0 = arith.constant 0 : i32
    %c0_i32_1 = arith.constant 0 : i32
    return %arg0, %c0_i32, %c0_i32_0 : i32, i32, i32
  }
}

</mosaic_0001>

<sc_bundles>
// kernel: kernel.5.cloned.1.call-start
scs
__scs_entry_jumppad:
0x0: {  	(pc) =	sbr.rel $0x88, $3  }
0x1: {  	(tag) =	ssettag $0x0;
	lr =	simm.s32 $0x1  }
0x2: {  	[smem:$0x3F9A] =	sst lr;
	_ =	strace $0xD0000000  }
0x3: {  	_ = 	snop  }
0x4: {  	_ = 	snop  }
0x5: {  	_ = 	snop  }
0x6: {  	_ = 	snop  }
0x7: {  	_ = 	snop  }
__scs_overlays_trampoline_lowered:
0x8: {  	[smem:$0x3FA9] =	sst s0  }
0x9: {  	[smem:$0x3FAA] =	sst s1  }
0xa: {  	[smem:$0x3FAB] =	sst s2  }
0xb: {  	[smem:$0x3FAC] =	sst s3  }
0xc: {  	[smem:$0x3FAD] =	sst s4  }
0xd: {  	[smem:$0x3FAE] =	sst s5  }
0xe: {  	[smem:$0x3FAF] =	sst s6  }
0xf: {  	[smem:$0x3FB0] =	sst s7  }
0x10: {  	[smem:$0x3FB1] =	sst s8  }
0x11: {  	[smem:$0x3FB2] =	sst s9;
	s0 =	simm.s32 @!p0 $0x0  }
0x12: {  	s1 =	sld [smem:$0x3F98];
	s0 =	simm.s32 @p0 $0x1  }
0x13: {  	[smem:$0x3FB3] =	sst s0;
	s0 =	simm.s32 @!p1 $0x0  }
0x14: {  	s2 =	sld [smem:$0x3F97];
	s0 =	simm.s32 @p1 $0x1  }
0x15: {  	[smem:$0x3FB4] =	sst s0;
	s0 =	simm.s32 @!p2 $0x0  }
0x16: {  	s3 =	sld [smem:$0x3FDB];
	s0 =	simm.s32 @p2 $0x1  }
0x17: {  	s4 =	simm.s32 $0x1BF5;
	[smem:$0x3FB6] =	sst s0  }
0x18: {  	s0 =	sld [smem:$0x3F99];
	_ =	swait.ge [sflag:s4], $0x0  }
0x19: {  	s7 =	sld [smem:$0x3F9A]  }
0x1a: {  	s8 =	sadd.s32 $0xFFFFE003, lr  }
0x1b: {  	s9 =	sadd.s32 $0xFFFFFEF7, lr;
	s5 =	simm.s32 $0xFFFFFFFF;
	p2 =	slt.u32 s8, $0xFFFFF086  }
0x1c: {  	p1 =	slt.u32 s9, $0xF7A;
	s5 =	simm.s32 @!p2 $0x0  }
0x1d: {  	s5 =	simm.s32 @p1 $0x1;
	p0 =	seq.s32 s7, s2  }
0x1e: {  	s7 =	smul.u32 @!p0 $0xF7A, s2;
	p2 =	seq.s32 @!p0 s5, $0x0  }
0x1f: {  	s9 =	smul.u32 $0xF7A, s1;
	s8 =	simm.s32 @!p0 $0x1BF5;
	p2 =	por !p2, p0  }
0x20: {  	[sflag:s8] =	ssyncset.s32 @!p0 $0xFFFFF086;
	s6 =	sadd.s32 @!p0 s3, s7;
	s7 =	simm.s32 @!p0 $0x108  }
0x21: {  	s3 =	sadd.s32 s3, s9;
	s6 =	sadd.s32 @!p0 $0x88, s6;
	s7 =	simm.s32 @p2 $0x1082  }
0x22: {  	[simem:s7], [sflag:s8] =	dma.local @!p0 [hbm:s6], $0xF7A  }
0x23: {  	s9 =	sor.u32 $0xD0000000, s2;
	s6 =	simm.s32 $0x108;
	_ =	swait.ge @!p0 [sflag:s8], $0x0  }
0x24: {  	s3 =	sadd.s32 $0x88, s3;
	s6 =	simm.s32 @!p1 $0x1082;
	[sflag:s4] =	ssyncset.s32 $0xFFFFF086  }
0x25: {  	[simem:s6], [sflag:s4] =	dma.local [hbm:s3], $0xF7A  }
0x26: {  	[smem:$0x3F9A] =	sst s1;
	(tag) =	ssettag s2;
	_ =	strace s9  }
0x27: {  	s1 =	sld [smem:$0x3FAA]  }
0x28: {  	s2 =	sld [smem:$0x3FAB]  }
0x29: {  	s4 =	sld [smem:$0x3FAD]  }
0x2a: {  	p0 =	seq.s32 s5, $0x0;
	s5 =	sld [smem:$0x3FAE]  }
0x2b: {  	s6 =	sld [smem:$0x3FAF]  }
0x2c: {  	s7 =	sld [smem:$0x3FB0]  }
0x2d: {  	s3 =	simm.s32 $0x108;
	s8 =	sld [smem:$0x3FB1]  }
0x2e: {  	s3 =	simm.s32 @!p0 $0x1082;
	s9 =	sld [smem:$0x3FB2]  }
0x2f: {  	lr =	sadd.s32 s0, s3;
	s0 =	sld [smem:$0x3FA9]  }
0x30: {  	s3 =	sld [smem:$0x3FAC]  }
0x31: {  	[smem:$0x3FB5] =	sst s10  }
0x32: {  	s10 =	sld [smem:$0x3FB3];
	_ =	sdelay $0x3  }
0x33: {  	p0 =	seq.s32 s10, $0x1;
	s10 =	sld [smem:$0x3FB5];
	_ =	sdelay $0x3  }
0x34: {  	[smem:$0x3FB5] =	sst s10  }
0x35: {  	s10 =	sld [smem:$0x3FB4];
	_ =	sdelay $0x3  }
0x36: {  	p1 =	seq.s32 s10, $0x1;
	s10 =	sld [smem:$0x3FB5];
	_ =	sdelay $0x3  }
0x37: {  	[smem:$0x3FB5] =	sst s10  }
0x38: {  	s10 =	sld [smem:$0x3FB6]  }
0x39: {  	_ = 	snop;
	(pc) =	sbr.ind lr, $3  }
0x3a: {  	_ = 	snop  }
0x3b: {  	_ = 	snop  }
0x3c: {  	p2 =	seq.s32 s10, $0x1;
	s10 =	sld [smem:$0x3FB5]  }
0x3d: {  	_ =	shalt  }
0x3e: {  	_ =	shalt  }
0x3f: {  	_ =	shalt  }
0x40: {  	_ =	shalt  }
0x41: {  	_ =	shalt  }
0x42: {  	_ =	shalt  }
0x43: {  	_ =	shalt  }
0x44: {  	_ =	shalt  }
0x45: {  	_ =	shalt  }
0x46: {  	_ =	shalt  }
0x47: {  	_ =	shalt  }
0x48: {  	_ =	shalt  }
0x49: {  	_ =	shalt  }
0x4a: {  	_ =	shalt  }
0x4b: {  	_ =	shalt  }
0x4c: {  	_ =	shalt  }
0x4d: {  	_ =	shalt  }
0x4e: {  	_ =	shalt  }
0x4f: {  	_ =	shalt  }
0x50: {  	_ =	shalt  }
0x51: {  	_ =	shalt  }
0x52: {  	_ =	shalt  }
0x53: {  	_ =	shalt  }
0x54: {  	_ =	shalt  }
0x55: {  	_ =	shalt  }
0x56: {  	_ =	shalt  }
0x57: {  	_ =	shalt  }
0x58: {  	_ =	shalt  }
0x59: {  	_ =	shalt  }
0x5a: {  	_ =	shalt  }
0x5b: {  	_ =	shalt  }
0x5c: {  	_ =	shalt  }
0x5d: {  	_ =	shalt  }
0x5e: {  	_ =	shalt  }
0x5f: {  	_ =	shalt  }
0x60: {  	_ =	shalt  }
0x61: {  	_ =	shalt  }
0x62: {  	_ =	shalt  }
0x63: {  	_ =	shalt  }
0x64: {  	_ =	shalt  }
0x65: {  	_ =	shalt  }
0x66: {  	_ =	shalt  }
0x67: {  	_ =	shalt  }
0x68: {  	_ =	shalt  }
0x69: {  	_ =	shalt  }
0x6a: {  	_ =	shalt  }
0x6b: {  	_ =	shalt  }
0x6c: {  	_ =	shalt  }
0x6d: {  	_ =	shalt  }
0x6e: {  	_ =	shalt  }
0x6f: {  	_ =	shalt  }
0x70: {  	_ =	shalt  }
0x71: {  	_ =	shalt  }
0x72: {  	_ =	shalt  }
0x73: {  	_ =	shalt  }
0x74: {  	_ =	shalt  }
0x75: {  	_ =	shalt  }
0x76: {  	_ =	shalt  }
0x77: {  	_ =	shalt  }
0x78: {  	_ =	shalt  }
0x79: {  	_ =	shalt  }
0x7a: {  	_ =	shalt  }
0x7b: {  	_ =	shalt  }
0x7c: {  	_ =	shalt  }
0x7d: {  	_ =	shalt  }
0x7e: {  	_ =	shalt  }
0x7f: {  	_ =	shalt  }
0x80: {  	_ =	shalt  }
0x81: {  	_ =	shalt  }
0x82: {  	_ =	shalt  }
0x83: {  	_ =	shalt  }
0x84: {  	_ =	shalt  }
0x85: {  	_ =	shalt  }
0x86: {  	_ =	shalt  }
0x87: {  	_ =	shalt  }
.Lfunc_end0:
.L_simem_size_0:
called_computation_lowered:
.L_overlay_start_0:
0x88: {  	s2 =	sld [smem:$0x3FD9]  }
0x89: {  	s3 =	sld [smem:$0x3FFE];
	_ =	sdelay $0x1  }
0x8a: {  	s1 =	srdreg.scid  }
0x8b: {  	s0 =	sand.u32 $0x1, s1  }
0x8c: {  	s18 =	sshll.u32 s0, $0xA;
	s2 =	sadd.s32 s3, s2  }
0x8d: {  	s2 =	sadd.s32 s2, s18  }
0x8e: {  	[smem:$0x3FC1] =	sst s2  }
0x8f: {  	_ = 	snop  }
0x90: {  	s2 =	sld [smem:$0x3FC8]  }
0x91: {  	s19 =	sld [smem:$0x3FC7]  }
0x92: {  	s4 =	sld [smem:$0x3FD0];
	(tm) =	ssettm $0x1  }
0x93: {  	s5 =	sld [smem:$0x3FFB];
	_ =	sdelay $0x3  }
0x94: {  	_ =	strace s5  }
0x95: {  	s5 =	sld [smem:$0x3FFC];
	_ =	sdelay $0x3  }
0x96: {  	_ =	strace s5  }
0x97: {  	s5 =	sld [smem:$0x3FFD];
	_ =	sdelay $0x3  }
0x98: {  	_ =	strace s5  }
0x99: {  	_ =	strace $0x8FFFFFFF  }
0x9a: {  	s20 =	sld [smem:$0x3FDB];
	_ =	sdelay $0x1  }
0x9b: {  	s6 =	simm.s32 $_scs_section_size  }
0x9c: {  	s7 =	simm.s32 $_size__tile_overlayer_lowered;
	s8 =	simm.s32 $_tile_overlayer_lowered  }
0x9d: {  	s23 =	simm.s32 $0x1BFF;
	s22 =	sshll.u32 s8, $0x1;
	s5 =	sadd.s32 s6, s20  }
0x9e: {  	s9 =	simm.s32 $0x0;
	s21 =	sshll.u32 s7, $0x1;
	s7 =	sadd.s32 s22, s5  }
0x9f: {  	[timem:s9], [sflag:s23] =	dma.local [hbm:s7], s21  }
0xa0: {  	_ =	swait.ge [sflag:s23], s21  }
0xa1: {  	s6 =	ssub.s32 $0x0, s21;
	[sflag:s23] =	ssyncset.done $0x0  }
0xa2: {  	[sflag:s23] =	ssyncadd.s32 s6;
	_ =	sdelay $0x1  }
0xa3: {  	s24 =	simm.s32 $0x1B8B  }
0xa4: {  	_ =	swait.ge [sflag:s24], $0x1  }
0xa5: {  	[sflag:s24] =	ssyncset.done $0x0  }
0xa6: {  	s25 =	simm.s32 $0x1B8E;
	[sflag:s24] =	ssyncadd.s32 $0xFFFFFFFF  }
0xa7: {  	s26 =	simm.s32 $execute0_lowered;
	[smem:$0x3FD2] =	sst s25  }
0xa8: {  	s6 =	sshll.u32 s26, $0x1;
	_ =	strace $0x80000046;
	[dreg:$0x1] =	wrdreg $0xFFFFFFFF  }
0xa9: {  	s28 =	simm.s32 $_size_execute0_lowered;
	s5 =	sadd.s32 s5, s6;
	[dreg:$0x0] =	wrdreg $0x0  }
0xaa: {  	s6 =	sshll.u32 s28, $0x1;
	[dreg:$0x2] =	wrdreg s5  }
0xab: {  	[dreg:$0x3] =	wrdreg s6  }
0xac: {  	[dreg:$0x4] =	wrdreg $0xC0  }
0xad: {  	_ =	task [dreg:s9], $0x5FFFF  }
0xae: {  	[dreg:$0x1] =	wrdreg $0xFFFFFFFF  }
0xaf: {  	[dreg:$0x0] =	wrdreg $0x60  }
0xb0: {  	[dreg:$0x2] =	wrdreg s2  }
0xb1: {  	[dreg:$0x3] =	wrdreg s19  }
0xb2: {  	[dreg:$0x4] =	wrdreg s4  }
0xb3: {  	[dreg:$0x5] =	wrdreg $0x9  }
0xb4: {  	_ =	task.clear_ibuf [dreg:s9], $0x6FFFF;
	_ =	strace $0x90000046  }
0xb5: {  	s29 =	simm.s32 $0x9;
	_ =	strace $0x80000048  }
0xb6: {  	_ =	swait.ge [sflag:s29], $0x1  }
0xb7: {  	[sflag:s29] =	ssyncadd.s32 $0xFFFFFFFF  }
0xb8: {  	_ =	strace $0x90000048  }
0xb9: {  	_ =	sfence  }
0xba: {  	s30 =	sld [smem:$0x0];
	_ =	sdelay $0x2  }
0xbb: {  	s31 =	sshll.u32 s1, $0xD;
	s1 =	sshrl.u32 s1, $0x2  }
0xbc: {  	s3 =	sand.u32 $0x4000, s31;
	s1 =	sadd.s32 s1, s30  }
0xbd: {  	s0 =	sor.u32 s3, s0;
	s1 =	sshll.u32 s1, $0x11  }
0xbe: {  	s0 =	sor.u32 s1, s0  }
0xbf: {  	s0 =	sadd.s32 $0x8F2B, s0  }
0xc0: {  	[sflag:s0] =	ssyncadd.remote.s32 $0x1  }
0xc1: {  	_ =	sfence.sel $0xFFFF  }
0xc2: {  	[dreg:$0x0] =	wrdreg $0xFFFFFFFF;
	(pc) =	sbr.abs _section_cstart, $3  }
0xc3: {  	[dreg:$0x1] =	wrdreg $0xFFFFFFFF  }
0xc4: {  	_ =	task.clear_ibuf [dreg:s9], $0x2FFFF;
	_ =	strace $0x9FFFFFFF  }
0xc5: {  	(tm) =	ssettm $0x7FFFFFFF  }
tec
execute0_lowered:
.L_overlay_start_1:
0x0: {  	(tag) =	ssettag $0x1  }
0x1: {  	s0 =	srdreg.scid  }
0x2: {  	s8 =	sand.u32 $0x1, s0;
	s0 =	stileid.u32  }
0x3: {  	s3 =	sor.u32 s0, s8  }
0x4: {  	p0 =	sne.s32 s3, $0x0  }
.Ltmp0:
0x5: {  	_ = 	snop;
	(pc) =	sbr.rel @p0 .LBB2_4-.Ltmp0, $4  }
0x6: {  	s5 =	rddreg [dreg:$0x0]  }
0x7: {  	s6 =	rddreg [dreg:$0x1]  }
0x8: {  	s2 =	rddreg [dreg:$0x2]  }
0x9: {  	s1 =	rddreg [dreg:$0x3];
	_ =	strace $0x80000047  }
0xa: {  	s4 =	simm.s32 $0x0;
	s3 =	simm.s32 $0x1  }
0xb: {  	[tilespmem:s4], [sflag:$0x1] =	stream.linear.gather [hbm4b:s5+s4], $0x100, $0x38;
	[tilespmem:$0x400] =	vst v63  }
0xc: {  	_ =	swait.ge [sflag:s3], $0x100  }
0xd: {  	[sflag:s3] =	ssyncset.done $0x0  }
0xe: {  	s7 =	simm.s32 $0x100;
	[sflag:s3] =	ssyncadd.s32 $0xFFFFFF00  }
0xf: {  	[tilespmem:s7], [sflag:$0x1] =	stream.linear.gather [hbm4b:s6+s4], $0x100, $0x38;
	[tilespmem:$0x400] =	vst v63  }
0x10: {  	_ =	swait.ge [sflag:s3], $0x100  }
0x11: {  	[sflag:s3] =	ssyncset.done $0x0  }
0x12: {  	s8 =	ssub.s32 $0x2, s8;
	[sflag:s3] =	ssyncadd.s32 $0xFFFFFF00  }
0x13: {  	s9 =	sshrl.u32 s8, $0x1;
	v1 =	vld [tilespmem:$0x0]  }
0x14: {  	s9 =	ssub.s32 s8, s9;
	v5 =	vld [tilespmem:$0x80]  }
0x15: {  	p0 =	sne.s32 s9, $0x1;
	v0 =	vld [tilespmem:$0x180]  }
.Ltmp1:
0x16: {  	v2 =	vld [tilespmem:$0x100];
	(pc) =	sbr.rel @!p0 .LBB2_3-.Ltmp1, $4  }
0x17: {  	_ = 	snop  }
0x18: {  	vm0 =	veq.s32 v1, $0x0;
	vm1 =	veq.s32 v1, $0x1;
	vm2 =	veq.s32 v1, $0x2  }
0x19: {  	vm3 =	veq.s32 v5, $0x0;
	vm5 =	veq.s32 v5, $0x1;
	vm4 =	veq.s32 v5, $0x2  }
0x1a: {  	s8 =	simm.s32 $0x200;
	s9 =	sadd.s32 $0xFFFFFFFF, s9;
	v3 =	vnsel vm3, $0x0, v0;
	v4 =	vnsel vm5, $0x0, v0;
	vm3 =	veq.s32 v5, $0x3  }
.LBB2_2:
0x1b: {  	p0 =	sne.s32 s9, $0x1;
	s9 =	sadd.s32 $0xFFFFFFFF, s9;
	v5 =	vnsel vm1, $0x0, v2;
	v6 =	vnsel vm2, $0x0, v2;
	v7 =	vnsel vm4, $0x0, v0  }
0x1c: {  	vm1 =	veq.s32 v1, $0x3;
	v4 =	vadd.f32 v4, v5;
	v5 =	vadd.f32 v7, v6  }
0x1d: {  	v1 =	vnsel vm0, $0x0, v2;
	v0 =	vnsel vm3, $0x0, v0;
	v2 =	vnsel vm1, $0x0, v2  }
0x1e: {  	v1 =	vadd.f32 v3, v1;
	v0 =	vadd.f32 v0, v2;
	[tilespmem:$0x300] =	vst v5  }
0x1f: {  	[tilespmem:$0x280] =	vst v4  }
0x20: {  	[tilespmem:$0x380] =	vst v0  }
0x21: {  	[tilespmem:$0x200] =	vst v1  }
0x22: {  	[hbm4b:s2+s4] =	stream.linear.scatter [tilespmem:s8], [sflag:$0x1], $0x200, $0x38;
	[tilespmem:$0x400] =	vst v63  }
0x23: {  	_ =	swait.ge [sflag:s3], $0x200  }
0x24: {  	[sflag:s3] =	ssyncset.done $0x0  }
0x25: {  	[sflag:s3] =	ssyncadd.s32 $0xFFFFFE00  }
0x26: {  	[tilespmem:s4], [sflag:$0x1] =	stream.linear.gather [hbm4b:s5+s4], $0x100, $0x38;
	[tilespmem:$0x400] =	vst v63  }
0x27: {  	_ =	swait.ge [sflag:s3], $0x100  }
0x28: {  	[sflag:s3] =	ssyncset.done $0x0  }
0x29: {  	[sflag:s3] =	ssyncadd.s32 $0xFFFFFF00  }
0x2a: {  	[tilespmem:s7], [sflag:$0x1] =	stream.linear.gather [hbm4b:s6+s4], $0x100, $0x38;
	[tilespmem:$0x400] =	vst v63  }
0x2b: {  	_ =	swait.ge [sflag:s3], $0x100  }
0x2c: {  	[sflag:s3] =	ssyncset.done $0x0  }
0x2d: {  	[sflag:s3] =	ssyncadd.s32 $0xFFFFFF00  }
0x2e: {  	v1 =	vld [tilespmem:$0x0]  }
0x2f: {  	v5 =	vld [tilespmem:$0x80]  }
0x30: {  	v0 =	vld [tilespmem:$0x180]  }
.Ltmp2:
0x31: {  	v2 =	vld [tilespmem:$0x100];
	(pc) =	sbr.rel @p0 .LBB2_2-.Ltmp2, $4  }
0x32: {  	_ = 	snop  }
0x33: {  	vm0 =	veq.s32 v1, $0x0;
	vm1 =	veq.s32 v1, $0x1;
	vm2 =	veq.s32 v1, $0x2  }
0x34: {  	vm3 =	veq.s32 v5, $0x0;
	vm5 =	veq.s32 v5, $0x1;
	vm4 =	veq.s32 v5, $0x2  }
0x35: {  	v3 =	vnsel vm3, $0x0, v0;
	v4 =	vnsel vm5, $0x0, v0;
	vm3 =	veq.s32 v5, $0x3  }
.LBB2_3:
0x36: {  	v5 =	vnsel vm2, $0x0, v2;
	v6 =	vnsel vm4, $0x0, v0  }
0x37: {  	v7 =	vnsel vm1, $0x0, v2;
	v5 =	vadd.f32 v6, v5  }
0x38: {  	vm15 =	veq.s32 v1, $0x3;
	v63 =	vnsel vm0, $0x0, v2;
	v60 =	vadd.f32 v4, v7  }
0x39: {  	v62 =	vnsel vm3, $0x0, v0;
	v61 =	vnsel vm15, $0x0, v2;
	v2 =	vadd.f32 v3, v63;
	[tilespmem:$0x300] =	vst v5  }
0x3a: {  	v0 =	vadd.f32 v62, v61;
	[tilespmem:$0x280] =	vst v60  }
0x3b: {  	[tilespmem:$0x200] =	vst v2  }
0x3c: {  	[tilespmem:$0x380] =	vst v0  }
0x3d: {  	[hbm4b:s2+s4] =	stream.linear.scatter [tilespmem:s8], [sflag:$0x1], $0x200, $0x38;
	[tilespmem:$0x400] =	vst v63  }
0x3e: {  	_ =	swait.ge [sflag:s3], $0x200  }
0x3f: {  	[sflag:s3] =	ssyncset.done $0x0  }
0x40: {  	[sflag:s3] =	ssyncadd.s32 $0xFFFFFE00  }
.LBB2_4:
0x41: {  	_ =	sfence.sel $0x180000  }
0x42: {  	[bflag:$0x0] =	sbarrier.arrive $0xFFFF  }
0x43: {  	p0 =	sne.s32 s0, $0x0;
	_ =	strace $0x90000047  }
0x44: {  	s0 =	sadd.s32 @!p0 $0x100000, s1;
	[bflag:$0x2] =	sbarrier.arrive $0xFFFF  }
0x45: {  	[sflag:s0] =	ssyncadd.tile.s32 @!p0 $0x1;
	_ =	shalt  }
.Lfunc_end2:
_tile_overlayer_lowered:
.L_overlay_start_2:
0x46: {  	(tag) =	ssettag $0x2  }
0x47: {  	s0 =	rddreg [dreg:$0x0];
	s2 =	stileid.u32  }
0x48: {  	s1 =	rddreg [dreg:$0x1];
	p0 =	sne.s32 s2, $0x0  }
0x49: {  	s3 =	rddreg [dreg:$0x2];
	[bflag:$0x3] =	sbarrier.arrive $0xFFFF;
	s2 =	simm.s32 @!p0 $0x1C01  }
0x4a: {  	[timem:s3], [sflag:s2] =	dma.local @!p0 [hbm:s0], s1  }
0x4b: {  	s0 =	simm.s32 @!p0 $0x1  }
0x4c: {  	_ =	swait.ge @!p0 [sflag:s0], s1  }
0x4d: {  	s1 =	ssub.s32 @!p0 $0x0, s1;
	[sflag:s0] =	ssyncset.done @!p0 $0x0  }
0x4e: {  	[sflag:s0] =	ssyncadd.s32 @!p0 s1  }
0x4f: {  	[bflag:$0x3] =	sbarrier.arrive $0xFFFF  }
0x50: {  	_ =	shalt  }

</sc_bundles>
